<compile_context>
chip_gen: v7x
topology: tpu7x:2x2x1
jax: 0.10.2.dev20260603
libtpu: 0.0.44.dev20260713+nightly
codegen_flags: <defaults>
</compile_context>

<pallas_src>
import functools

import jax
import jax.numpy as jnp
from jax import lax
from jax.experimental import pallas as pl
from jax.experimental.pallas import tpu as pltpu
from jax.experimental.pallas import tpu_sc as plsc

K1 = (1832780943, 270669613)
K2 = (64467757, 2916123636)
K3 = (2465931498, 255383827)
K5 = (1914800406, 1741898942)

_ROT_A = (13, 15, 26, 6)
_ROT_B = (17, 29, 16, 24)

H = 480
W = 640

ROWS, COLS = 32, 32768
N = ROWS * COLS
BLOCK_ROWS = 8

NUM_CORES = 2
NUM_SUBCORES = 16
NW = NUM_CORES * NUM_SUBCORES
CHUNK = N // NW
CAP = 4096
CAP_ROWS = CAP // 128


def _threefry_fold(key, cnt):
    ks0 = jnp.uint32(key[0])
    ks1 = jnp.uint32(key[1])
    ks2 = jnp.uint32(0x1BD11BDA ^ key[0] ^ key[1])
    x0 = jnp.full_like(cnt, ks0)
    x1 = cnt + ks1

    def rotl(v, d):
        return (v << jnp.uint32(d)) | (v >> jnp.uint32(32 - d))

    def rounds(x0, x1, rots):
        for r in rots:
            x0 = x0 + x1
            x1 = rotl(x1, r)
            x1 = x0 ^ x1
        return x0, x1

    x0, x1 = rounds(x0, x1, _ROT_A)
    x0 = x0 + ks1
    x1 = x1 + (ks2 + jnp.uint32(1))
    x0, x1 = rounds(x0, x1, _ROT_B)
    x0 = x0 + ks2
    x1 = x1 + (ks0 + jnp.uint32(2))
    x0, x1 = rounds(x0, x1, _ROT_A)
    x0 = x0 + ks0
    x1 = x1 + (ks1 + jnp.uint32(3))
    x0, x1 = rounds(x0, x1, _ROT_B)
    x0 = x0 + ks1
    x1 = x1 + (ks2 + jnp.uint32(4))
    x0, x1 = rounds(x0, x1, _ROT_A)
    x0 = x0 + ks2
    x1 = x1 + (ks0 + jnp.uint32(5))
    return x0 ^ x1


def _bits_to_unit_float(bits):
    f = lax.bitcast_convert_type(
        (bits >> jnp.uint32(9)) | jnp.uint32(0x3F800000), jnp.float32)
    return f - jnp.float32(1.0)



def _tc_body(v_ref, m_ref):
    shape = v_ref.shape
    base = jnp.uint32(pl.program_id(0) * (BLOCK_ROWS * COLS))
    row = lax.broadcasted_iota(jnp.uint32, shape, 0)
    col = lax.broadcasted_iota(jnp.uint32, shape, 1)
    cnt = (base + (row << jnp.uint32(15))) + col

    b1 = _threefry_fold(K1, cnt)
    mask = ((b1 >> jnp.uint32(9)).astype(jnp.int32) < jnp.int32(838861)) & v_ref[...]
    m_ref[...] = mask.astype(jnp.int32)


def _tc_phase(valid_mask):
    grid = (ROWS // BLOCK_ROWS,)
    spec = pl.BlockSpec((BLOCK_ROWS, COLS), lambda i: (i, 0))
    return pl.pallas_call(
        _tc_body,
        grid=grid,
        in_specs=[spec],
        out_specs=spec,
        out_shape=jax.ShapeDtypeStruct((ROWS, COLS), jnp.int32),
        compiler_params=pltpu.CompilerParams(
            dimension_semantics=("arbitrary",),
        ),
    )(valid_mask)



def _sc_noise_body(mask_hbm, p_hbm, y_hbm, x_hbm, p_out, y_out, x_out,
                   mask_v, idxf_v, data_a, data_b, sem_m, sem_a, sem_b):
    wid = lax.axis_index("s") * NUM_CORES + lax.axis_index("c")
    base = wid * CHUNK
    sl = pl.ds(base, CHUNK)
    iota16 = lax.iota(jnp.int32, 16)

    cp_mask = pltpu.make_async_copy(mask_hbm.at[sl], mask_v, sem_m)
    cp_p_in = pltpu.make_async_copy(p_hbm.at[sl], data_a, sem_a)
    cp_y_in = pltpu.make_async_copy(y_hbm.at[sl], data_b, sem_b)

    def comp_body(g, nv):
        off = g * 16
        mvec = mask_v[pl.ds(off, 16)]
        m = mvec != 0
        pos = nv + (plsc.cumsum(mvec) - mvec)
        plsc.store_scatter(idxf_v, [pos], off + iota16, mask=m)
        return nv + plsc.all_reduce_population_count(m)

    n_vec = jnp.zeros((16,), jnp.int32)
    n = n_vec[0]
    n_groups = (n + 15) >> 4

    @pl.when(n > 0)
    def _():
        idx0 = lax.gather(
            idxf_v[pl.ds(0, 16)], jnp.zeros((16, 1), jnp.int32),
            lax.GatherDimensionNumbers(offset_dims=(),
                                       collapsed_slice_dims=(0,),
                                       start_index_map=(0,)),
            slice_sizes=(1,),
            mode=lax.GatherScatterMode.PROMISE_IN_BOUNDS)

        def fill_body(g, _):
            pos16 = g * 16 + iota16
            keep = pos16 < n
            newv = jnp.where(keep, idxf_v[pl.ds(g * 16, 16)], idx0)
            idxf_v[pl.ds(g * 16, 16)] = newv
            return jnp.int32(0)

        lax.fori_loop(n >> 4, n_groups, fill_body, jnp.int32(0))

    def noise_pass(buf, key, scale):
        def body(g, _):
            idxv = idxf_v[pl.ds(g * 16, 16)]
            bits = _threefry_fold(key, (base + idxv).astype(jnp.uint32))
            if scale is None:
                val = (bits & jnp.uint32(1)).astype(jnp.float32)
            else:
                val = _bits_to_unit_float(bits) * jnp.float32(scale)
            plsc.store_scatter(buf, [idxv], val)
            return jnp.int32(0)

        lax.fori_loop(0, n_groups, body, jnp.int32(0))

    del cp_mask, cp_p_in, cp_y_in


_sc_noise = functools.partial(
    pl.kernel,
    mesh=plsc.VectorSubcoreMesh(core_axis_name="c", subcore_axis_name="s",
                                num_cores=NUM_CORES,
                                num_subcores=NUM_SUBCORES),
    out_type=[
        jax.ShapeDtypeStruct((N,), jnp.float32),
        jax.ShapeDtypeStruct((N,), jnp.float32),
        jax.ShapeDtypeStruct((N,), jnp.float32),
    ],
    compiler_params=pltpu.CompilerParams(needs_layout_passes=False),
    scratch_types=[
        pltpu.VMEM((CHUNK,), jnp.int32),
        pltpu.VMEM((CAP,), jnp.int32),
        pltpu.VMEM((CHUNK,), jnp.float32),
        pltpu.VMEM((CHUNK,), jnp.float32),
        pltpu.SemaphoreType.DMA,
        pltpu.SemaphoreType.DMA,
        pltpu.SemaphoreType.DMA,
    ],
)(_sc_noise_body)


@jax.jit
def kernel(p, y, x, t, valid_mask):
    mask_i32 = _tc_phase(valid_mask)
    p_out, y_out, x_out = _sc_noise(
        mask_i32.reshape(N), p.reshape(N), y.reshape(N), x.reshape(N))
    return (p_out.reshape(ROWS, COLS), y_out.reshape(ROWS, COLS),
            x_out.reshape(ROWS, COLS), t, valid_mask)

# --- scband reference (transcript-rebuilt; emitter-appended) ---
"""Pipeline reference for scband-random-replace-by-noise-21878563405925 (READ-ONLY COPY).

The authoritative reference and input builder live on the scoring server;
editing this copy changes nothing except your own understanding.
"""

import jax, jax.numpy as jnp
import numpy as np

H = 480
W = 640
P_REPLACE = 0.1
SHAPE = (32, 32768)


def setup_inputs(seed: int = 0) -> dict:
    key = jax.random.key(seed)
    ks = jax.random.split(key, 5)
    p = jax.random.randint(ks[0], SHAPE, 0, 2).astype(jnp.float32)
    y = jax.random.uniform(ks[1], SHAPE, dtype=jnp.float32) * (H - 1)
    x = jax.random.uniform(ks[2], SHAPE, dtype=jnp.float32) * (W - 1)
    t = jax.random.uniform(ks[3], SHAPE, dtype=jnp.float32)
    valid_mask = jax.random.randint(ks[4], SHAPE, 0, 2).astype(bool)
    return {"p": p, "y": y, "x": x, "t": t, "valid_mask": valid_mask}


def reference(p, y, x, t, valid_mask):
    key = jax.random.key(42)
    k1, k2, k3, k4 = jax.random.split(key, 4)
    # replace_mask = rand_like(p) < p_replace, AND valid_mask
    replace_mask = (jax.random.uniform(k1, p.shape, dtype=jnp.float32) < P_REPLACE) & valid_mask
    noise_x = jax.random.uniform(k2, x.shape, dtype=jnp.float32) * (W - 1)
    noise_y = jax.random.uniform(k3, y.shape, dtype=jnp.float32) * (H - 1)
    noise_p = jax.random.randint(k4, p.shape, 0, 2).astype(jnp.float32)
    # masked in-place overwrite -> functional where
    x_out = jnp.where(replace_mask, noise_x, x)
    y_out = jnp.where(replace_mask, noise_y, y)
    p_out = jnp.where(replace_mask, noise_p, p)
    return (p_out, y_out, x_out, t, valid_mask)

if __name__ == "__main__":
    import jax
    _d = setup_inputs()
    print(jax.jit(kernel)(*tuple(_d.values())))

</pallas_src>

<mosaic_0001>
#map = affine_map<(d0, d1) -> (0)>
module attributes {stable_mosaic.version = 14 : i64} {
  func.func @_sc_noise_body(%arg0: i32, %arg1: i32, %arg2: memref<1048576xi32, #tpu.memory_space<hbm>>, %arg3: memref<1048576xf32, #tpu.memory_space<hbm>>, %arg4: memref<1048576xf32, #tpu.memory_space<hbm>>, %arg5: memref<1048576xf32, #tpu.memory_space<hbm>>, %arg6: memref<1048576xf32, #tpu.memory_space<hbm>>, %arg7: memref<1048576xf32, #tpu.memory_space<hbm>>, %arg8: memref<1048576xf32, #tpu.memory_space<hbm>>, %arg9: memref<32768xi32, #tpu.memory_space<vmem>>, %arg10: memref<4096xi32, #tpu.memory_space<vmem>>, %arg11: memref<32768xf32, #tpu.memory_space<vmem>>, %arg12: memref<32768xf32, #tpu.memory_space<vmem>>, %arg13: memref<!tpu.dma_semaphore, #tpu.memory_space<semaphore_mem>>, %arg14: memref<!tpu.dma_semaphore, #tpu.memory_space<semaphore_mem>>, %arg15: memref<!tpu.dma_semaphore, #tpu.memory_space<semaphore_mem>>) attributes {dimension_semantics = [#tpu.dimension_semantics<core_parallel>, #tpu.dimension_semantics<subcore_parallel>], iteration_bounds = array<i64: 2, 16>, scalar_prefetch = 0 : i64, scratch_operands = 7 : i64, tpu.core_type = #tpu.core_type<sc_vector_subcore>, window_params = [{transform_indices = #map}, {transform_indices = #map}, {transform_indices = #map}, {transform_indices = #map}, {transform_indices = #map}, {transform_indices = #map}, {transform_indices = #map}]} {
    %mul3A = arith.constant 2 : i32
    %mul3A_0 = arith.muli %arg1, %mul3A : i32
    %add3A = arith.addi %mul3A_0, %arg0 : i32
    %mul3A_1 = arith.constant 32768 : i32
    %mul3A_2 = arith.muli %add3A, %mul3A_1 : i32
    %iota3A = tpu.iota {dimensions = array<i32: 0>} : vector<16xi32>
    %broadcast_in_dim3A = arith.constant 0 : i32
    %broadcast_in_dim3A_3 = vector.broadcast %broadcast_in_dim3A : i32 to vector<16xi32>
    %slice3A = vector.extract_strided_slice %broadcast_in_dim3A_3 {offsets = [0], sizes = [1], strides = [1]} : vector<16xi32> to vector<1xi32>
    %squeeze3A = vector.extract %slice3A[0] : i32 from vector<1xi32>
    %add3A_4 = arith.constant 15 : i32
    %add3A_5 = arith.addi %squeeze3A, %add3A_4 : i32
    %shift_right_arithmetic3A = arith.constant 4 : i32
    %shift_right_arithmetic3A_6 = arith.shrsi %add3A_5, %shift_right_arithmetic3A : i32
    %gt3A = arith.constant 0 : i32
    %gt3A_7 = arith.cmpi sgt, %squeeze3A, %gt3A : i32
    %convert_element_type3A = arith.extui %gt3A_7 : i1 to i32
    %cond3A = arith.constant 0 : i32
    %cond3A_8 = arith.cmpi ne, %convert_element_type3A, %cond3A : i32
    scf.if %cond3A_8 {
      %get3A = arith.constant 0 : index
      %get3A_9 = tpu.vector_load %arg10[%get3A] {strides = array<i32>} : memref<4096xi32, #tpu.memory_space<vmem>>, vector<16xi32>,
      %broadcast_in_dim3A_10 = arith.constant 0 : i32
      %broadcast_in_dim3A_11 = vector.broadcast %broadcast_in_dim3A_10 : i32 to vector<16x1xi32>
      %gather3A = vector.shape_cast %broadcast_in_dim3A_11 : vector<16x1xi32> to vector<16xi32>
      %gather3A_12 = tpu.dynamic_gather %get3A_9[%gather3A] in [0] : vector<16xi32>, vector<16xi32> -> vector<16xi32>
      %shift_right_arithmetic3A_13 = arith.constant 4 : i32
      %shift_right_arithmetic3A_14 = arith.shrsi %squeeze3A, %shift_right_arithmetic3A_13 : i32
      %while3A = arith.constant 0 : i32
      %while3A_15 = arith.subi %shift_right_arithmetic3A_6, %shift_right_arithmetic3A_14 : i32
      %while3A_16 = arith.addi %shift_right_arithmetic3A_14, %while3A_15 : i32
      %while3A_17 = arith.constant 1 : i32
      %while3A_18 = arith.divsi %while3A_15, %while3A_17 : i32
      %while3A_19 = arith.muli %while3A_18, %while3A_17 : i32
      %while3A_20 = arith.addi %shift_right_arithmetic3A_14, %while3A_19 : i32
      %while3A_21 = arith.constant 1 : i32
      %while3A_22 = scf.for %while3A_25 = %shift_right_arithmetic3A_14 to %while3A_20 step %while3A_21 iter_args(%while3A_26 = %while3A) -> (i32)  : i32 {
        %mul3A_27 = arith.constant 16 : i32
        %mul3A_28 = arith.muli %while3A_25, %mul3A_27 : i32
        %add3A_29 = vector.broadcast %mul3A_28 : i32 to vector<16xi32>
        %add3A_30 = arith.addi %add3A_29, %iota3A : vector<16xi32>
        %lt3A = vector.broadcast %squeeze3A : i32 to vector<16xi32>
        %lt3A_31 = arith.cmpi slt, %add3A_30, %lt3A : vector<16xi32>
        %mul3A_32 = arith.constant 16 : i32
        %mul3A_33 = arith.muli %while3A_25, %mul3A_32 : i32
        %get3A_34 = arith.index_cast %mul3A_33 : i32 to index
        %get3A_35 = tpu.vector_load %arg10[%get3A_34] {strides = array<i32>} : memref<4096xi32, #tpu.memory_space<vmem>>, vector<16xi32>,
        %select_n3A = arith.select %lt3A_31, %get3A_35, %gather3A_12 : vector<16xi1>, vector<16xi32>
        %mul3A_36 = arith.constant 16 : i32
        %mul3A_37 = arith.muli %while3A_25, %mul3A_36 : i32
        %swap3A = arith.index_cast %mul3A_37 : i32 to index
        %swap3A_38 = tpu.vector_load %arg10[%swap3A] {strides = array<i32>} : memref<4096xi32, #tpu.memory_space<vmem>>, vector<16xi32>,
        tpu.vector_store %arg10[%swap3A], %select_n3A {strides = array<i32>} : memref<4096xi32, #tpu.memory_space<vmem>>, vector<16xi32>,
        %while3A_39 = arith.constant 0 : i32
        scf.yield %while3A_39 : i32
      }
      %while3A_23 = arith.constant 1 : i32
      %while3A_24 = scf.for %while3A_25 = %while3A_20 to %while3A_16 step %while3A_23 iter_args(%while3A_26 = %while3A_22) -> (i32)  : i32 {
        %mul3A_27 = arith.constant 16 : i32
        %mul3A_28 = arith.muli %while3A_25, %mul3A_27 : i32
        %add3A_29 = vector.broadcast %mul3A_28 : i32 to vector<16xi32>
        %add3A_30 = arith.addi %add3A_29, %iota3A : vector<16xi32>
        %lt3A = vector.broadcast %squeeze3A : i32 to vector<16xi32>
        %lt3A_31 = arith.cmpi slt, %add3A_30, %lt3A : vector<16xi32>
        %mul3A_32 = arith.constant 16 : i32
        %mul3A_33 = arith.muli %while3A_25, %mul3A_32 : i32
        %get3A_34 = arith.index_cast %mul3A_33 : i32 to index
        %get3A_35 = tpu.vector_load %arg10[%get3A_34] {strides = array<i32>} : memref<4096xi32, #tpu.memory_space<vmem>>, vector<16xi32>,
        %select_n3A = arith.select %lt3A_31, %get3A_35, %gather3A_12 : vector<16xi1>, vector<16xi32>
        %mul3A_36 = arith.constant 16 : i32
        %mul3A_37 = arith.muli %while3A_25, %mul3A_36 : i32
        %swap3A = arith.index_cast %mul3A_37 : i32 to index
        %swap3A_38 = tpu.vector_load %arg10[%swap3A] {strides = array<i32>} : memref<4096xi32, #tpu.memory_space<vmem>>, vector<16xi32>,
        tpu.vector_store %arg10[%swap3A], %select_n3A {strides = array<i32>} : memref<4096xi32, #tpu.memory_space<vmem>>, vector<16xi32>,
        %while3A_39 = arith.constant 0 : i32
        scf.yield %while3A_39 : i32
      }
    } else {
    }
    return
  }
}

module attributes {stable_mosaic.version = 14 : i64} {
  func.func @_tc_body(%arg0: i32, %arg1: memref<8x32768xi32, #tpu.memory_space<vmem>>, %arg2: memref<8x32768xi32, #tpu.memory_space<vmem>>) attributes {dimension_semantics = [#tpu.dimension_semantics<arbitrary>], iteration_bounds = array<i64: 4>, scalar_prefetch = 0 : i64, scratch_operands = 0 : i64, tpu.core_type = #tpu.core_type<tc>, window_params = [{transform_indices = @transform_0, window_bounds = array<i64: 8, 32768>}, {transform_indices = @transform_1, window_bounds = array<i64: 8, 32768>}]} {
    %mul3A = arith.constant 262144 : i32
    %mul3A_0 = arith.muli %arg0, %mul3A : i32
    %iota3A = tpu.iota {dimensions = array<i32: 0>} : vector<8x32768xi32>
    %iota3A_1 = tpu.iota {dimensions = array<i32: 1>} : vector<8x32768xi32>
    %shift_left3A = arith.constant 15 : i32
    %shift_left3A_2 = vector.broadcast %shift_left3A : i32 to vector<8x32768xi32>
    %shift_left3A_3 = arith.shli %iota3A, %shift_left3A_2 : vector<8x32768xi32>
    %add3A = vector.broadcast %mul3A_0 : i32 to vector<8x32768xi32>
    %add3A_4 = arith.addi %add3A, %shift_left3A_3 : vector<8x32768xi32>
    %add3A_5 = arith.addi %add3A_4, %iota3A_1 : vector<8x32768xi32>
    %broadcast_in_dim3A = arith.constant 1832780943 : i32
    %broadcast_in_dim3A_6 = vector.broadcast %broadcast_in_dim3A : i32 to vector<8x32768xi32>
    %add3A_7 = arith.constant 270669613 : i32
    %add3A_8 = vector.broadcast %add3A_7 : i32 to vector<8x32768xi32>
    %add3A_9 = arith.addi %add3A_5, %add3A_8 : vector<8x32768xi32>
    %add3A_10 = arith.addi %broadcast_in_dim3A_6, %add3A_9 : vector<8x32768xi32>
    %shift_left3A_11 = arith.constant 13 : i32
    %shift_left3A_12 = vector.broadcast %shift_left3A_11 : i32 to vector<8x32768xi32>
    %shift_left3A_13 = arith.shli %add3A_9, %shift_left3A_12 : vector<8x32768xi32>
    %shift_right_logical3A = arith.constant 19 : i32
    %shift_right_logical3A_14 = vector.broadcast %shift_right_logical3A : i32 to vector<8x32768xi32>
    %shift_right_logical3A_15 = arith.shrui %add3A_9, %shift_right_logical3A_14 : vector<8x32768xi32>
    %or3A = arith.ori %shift_left3A_13, %shift_right_logical3A_15 : vector<8x32768xi32>
    %xor3A = arith.xori %add3A_10, %or3A : vector<8x32768xi32>
    %add3A_16 = arith.addi %add3A_10, %xor3A : vector<8x32768xi32>
    %shift_left3A_17 = arith.constant 15 : i32
    %shift_left3A_18 = vector.broadcast %shift_left3A_17 : i32 to vector<8x32768xi32>
    %shift_left3A_19 = arith.shli %xor3A, %shift_left3A_18 : vector<8x32768xi32>
    %shift_right_logical3A_20 = arith.constant 17 : i32
    %shift_right_logical3A_21 = vector.broadcast %shift_right_logical3A_20 : i32 to vector<8x32768xi32>
    %shift_right_logical3A_22 = arith.shrui %xor3A, %shift_right_logical3A_21 : vector<8x32768xi32>
    %or3A_23 = arith.ori %shift_left3A_19, %shift_right_logical3A_22 : vector<8x32768xi32>
    %xor3A_24 = arith.xori %add3A_16, %or3A_23 : vector<8x32768xi32>
    %add3A_25 = arith.addi %add3A_16, %xor3A_24 : vector<8x32768xi32>
    %shift_left3A_26 = arith.constant 26 : i32
    %shift_left3A_27 = vector.broadcast %shift_left3A_26 : i32 to vector<8x32768xi32>
    %shift_left3A_28 = arith.shli %xor3A_24, %shift_left3A_27 : vector<8x32768xi32>
    %shift_right_logical3A_29 = arith.constant 6 : i32
    %shift_right_logical3A_30 = vector.broadcast %shift_right_logical3A_29 : i32 to vector<8x32768xi32>
    %shift_right_logical3A_31 = arith.shrui %xor3A_24, %shift_right_logical3A_30 : vector<8x32768xi32>
    %or3A_32 = arith.ori %shift_left3A_28, %shift_right_logical3A_31 : vector<8x32768xi32>
    %xor3A_33 = arith.xori %add3A_25, %or3A_32 : vector<8x32768xi32>
    %add3A_34 = arith.addi %add3A_25, %xor3A_33 : vector<8x32768xi32>
    %shift_left3A_35 = arith.constant 6 : i32
    %shift_left3A_36 = vector.broadcast %shift_left3A_35 : i32 to vector<8x32768xi32>
    %shift_left3A_37 = arith.shli %xor3A_33, %shift_left3A_36 : vector<8x32768xi32>
    %shift_right_logical3A_38 = arith.constant 26 : i32
    %shift_right_logical3A_39 = vector.broadcast %shift_right_logical3A_38 : i32 to vector<8x32768xi32>
    %shift_right_logical3A_40 = arith.shrui %xor3A_33, %shift_right_logical3A_39 : vector<8x32768xi32>
    %or3A_41 = arith.ori %shift_left3A_37, %shift_right_logical3A_40 : vector<8x32768xi32>
    %xor3A_42 = arith.xori %add3A_34, %or3A_41 : vector<8x32768xi32>
    %add3A_43 = arith.constant 270669613 : i32
    %add3A_44 = vector.broadcast %add3A_43 : i32 to vector<8x32768xi32>
    %add3A_45 = arith.addi %add3A_34, %add3A_44 : vector<8x32768xi32>
    %add3A_46 = arith.constant 1724713080 : i32
    %add3A_47 = arith.constant 1 : i32
    %add3A_48 = arith.addi %add3A_46, %add3A_47 : i32
    %add3A_49 = vector.broadcast %add3A_48 : i32 to vector<8x32768xi32>
    %add3A_50 = arith.addi %xor3A_42, %add3A_49 : vector<8x32768xi32>
    %add3A_51 = arith.addi %add3A_45, %add3A_50 : vector<8x32768xi32>
    %shift_left3A_52 = arith.constant 17 : i32
    %shift_left3A_53 = vector.broadcast %shift_left3A_52 : i32 to vector<8x32768xi32>
    %shift_left3A_54 = arith.shli %add3A_50, %shift_left3A_53 : vector<8x32768xi32>
    %shift_right_logical3A_55 = arith.constant 15 : i32
    %shift_right_logical3A_56 = vector.broadcast %shift_right_logical3A_55 : i32 to vector<8x32768xi32>
    %shift_right_logical3A_57 = arith.shrui %add3A_50, %shift_right_logical3A_56 : vector<8x32768xi32>
    %or3A_58 = arith.ori %shift_left3A_54, %shift_right_logical3A_57 : vector<8x32768xi32>
    %xor3A_59 = arith.xori %add3A_51, %or3A_58 : vector<8x32768xi32>
    %add3A_60 = arith.addi %add3A_51, %xor3A_59 : vector<8x32768xi32>
    %shift_left3A_61 = arith.constant 29 : i32
    %shift_left3A_62 = vector.broadcast %shift_left3A_61 : i32 to vector<8x32768xi32>
    %shift_left3A_63 = arith.shli %xor3A_59, %shift_left3A_62 : vector<8x32768xi32>
    %shift_right_logical3A_64 = arith.constant 3 : i32
    %shift_right_logical3A_65 = vector.broadcast %shift_right_logical3A_64 : i32 to vector<8x32768xi32>
    %shift_right_logical3A_66 = arith.shrui %xor3A_59, %shift_right_logical3A_65 : vector<8x32768xi32>
    %or3A_67 = arith.ori %shift_left3A_63, %shift_right_logical3A_66 : vector<8x32768xi32>
    %xor3A_68 = arith.xori %add3A_60, %or3A_67 : vector<8x32768xi32>
    %add3A_69 = arith.addi %add3A_60, %xor3A_68 : vector<8x32768xi32>
    %shift_left3A_70 = arith.constant 16 : i32
    %shift_left3A_71 = vector.broadcast %shift_left3A_70 : i32 to vector<8x32768xi32>
    %shift_left3A_72 = arith.shli %xor3A_68, %shift_left3A_71 : vector<8x32768xi32>
    %shift_right_logical3A_73 = arith.constant 16 : i32
    %shift_right_logical3A_74 = vector.broadcast %shift_right_logical3A_73 : i32 to vector<8x32768xi32>
    %shift_right_logical3A_75 = arith.shrui %xor3A_68, %shift_right_logical3A_74 : vector<8x32768xi32>
    %or3A_76 = arith.ori %shift_left3A_72, %shift_right_logical3A_75 : vector<8x32768xi32>
    %xor3A_77 = arith.xori %add3A_69, %or3A_76 : vector<8x32768xi32>
    %add3A_78 = arith.addi %add3A_69, %xor3A_77 : vector<8x32768xi32>
    %shift_left3A_79 = arith.constant 24 : i32
    %shift_left3A_80 = vector.broadcast %shift_left3A_79 : i32 to vector<8x32768xi32>
    %shift_left3A_81 = arith.shli %xor3A_77, %shift_left3A_80 : vector<8x32768xi32>
    %shift_right_logical3A_82 = arith.constant 8 : i32
    %shift_right_logical3A_83 = vector.broadcast %shift_right_logical3A_82 : i32 to vector<8x32768xi32>
    %shift_right_logical3A_84 = arith.shrui %xor3A_77, %shift_right_logical3A_83 : vector<8x32768xi32>
    %or3A_85 = arith.ori %shift_left3A_81, %shift_right_logical3A_84 : vector<8x32768xi32>
    %xor3A_86 = arith.xori %add3A_78, %or3A_85 : vector<8x32768xi32>
    %add3A_87 = arith.constant 1724713080 : i32
    %add3A_88 = vector.broadcast %add3A_87 : i32 to vector<8x32768xi32>
    %add3A_89 = arith.addi %add3A_78, %add3A_88 : vector<8x32768xi32>
    %add3A_90 = arith.constant 1832780943 : i32
    %add3A_91 = arith.constant 2 : i32
    %add3A_92 = arith.addi %add3A_90, %add3A_91 : i32
    %add3A_93 = vector.broadcast %add3A_92 : i32 to vector<8x32768xi32>
    %add3A_94 = arith.addi %xor3A_86, %add3A_93 : vector<8x32768xi32>
    %add3A_95 = arith.addi %add3A_89, %add3A_94 : vector<8x32768xi32>
    %shift_left3A_96 = arith.constant 13 : i32
    %shift_left3A_97 = vector.broadcast %shift_left3A_96 : i32 to vector<8x32768xi32>
    %shift_left3A_98 = arith.shli %add3A_94, %shift_left3A_97 : vector<8x32768xi32>
    %shift_right_logical3A_99 = arith.constant 19 : i32
    %shift_right_logical3A_100 = vector.broadcast %shift_right_logical3A_99 : i32 to vector<8x32768xi32>
    %shift_right_logical3A_101 = arith.shrui %add3A_94, %shift_right_logical3A_100 : vector<8x32768xi32>
    %or3A_102 = arith.ori %shift_left3A_98, %shift_right_logical3A_101 : vector<8x32768xi32>
    %xor3A_103 = arith.xori %add3A_95, %or3A_102 : vector<8x32768xi32>
    %add3A_104 = arith.addi %add3A_95, %xor3A_103 : vector<8x32768xi32>
    %shift_left3A_105 = arith.constant 15 : i32
    %shift_left3A_106 = vector.broadcast %shift_left3A_105 : i32 to vector<8x32768xi32>
    %shift_left3A_107 = arith.shli %xor3A_103, %shift_left3A_106 : vector<8x32768xi32>
    %shift_right_logical3A_108 = arith.constant 17 : i32
    %shift_right_logical3A_109 = vector.broadcast %shift_right_logical3A_108 : i32 to vector<8x32768xi32>
    %shift_right_logical3A_110 = arith.shrui %xor3A_103, %shift_right_logical3A_109 : vector<8x32768xi32>
    %or3A_111 = arith.ori %shift_left3A_107, %shift_right_logical3A_110 : vector<8x32768xi32>
    %xor3A_112 = arith.xori %add3A_104, %or3A_111 : vector<8x32768xi32>
    %add3A_113 = arith.addi %add3A_104, %xor3A_112 : vector<8x32768xi32>
    %shift_left3A_114 = arith.constant 26 : i32
    %shift_left3A_115 = vector.broadcast %shift_left3A_114 : i32 to vector<8x32768xi32>
    %shift_left3A_116 = arith.shli %xor3A_112, %shift_left3A_115 : vector<8x32768xi32>
    %shift_right_logical3A_117 = arith.constant 6 : i32
    %shift_right_logical3A_118 = vector.broadcast %shift_right_logical3A_117 : i32 to vector<8x32768xi32>
    %shift_right_logical3A_119 = arith.shrui %xor3A_112, %shift_right_logical3A_118 : vector<8x32768xi32>
    %or3A_120 = arith.ori %shift_left3A_116, %shift_right_logical3A_119 : vector<8x32768xi32>
    %xor3A_121 = arith.xori %add3A_113, %or3A_120 : vector<8x32768xi32>
    %add3A_122 = arith.addi %add3A_113, %xor3A_121 : vector<8x32768xi32>
    %shift_left3A_123 = arith.constant 6 : i32
    %shift_left3A_124 = vector.broadcast %shift_left3A_123 : i32 to vector<8x32768xi32>
    %shift_left3A_125 = arith.shli %xor3A_121, %shift_left3A_124 : vector<8x32768xi32>
    %shift_right_logical3A_126 = arith.constant 26 : i32
    %shift_right_logical3A_127 = vector.broadcast %shift_right_logical3A_126 : i32 to vector<8x32768xi32>
    %shift_right_logical3A_128 = arith.shrui %xor3A_121, %shift_right_logical3A_127 : vector<8x32768xi32>
    %or3A_129 = arith.ori %shift_left3A_125, %shift_right_logical3A_128 : vector<8x32768xi32>
    %xor3A_130 = arith.xori %add3A_122, %or3A_129 : vector<8x32768xi32>
    %add3A_131 = arith.constant 1832780943 : i32
    %add3A_132 = vector.broadcast %add3A_131 : i32 to vector<8x32768xi32>
    %add3A_133 = arith.addi %add3A_122, %add3A_132 : vector<8x32768xi32>
    %add3A_134 = arith.constant 270669613 : i32
    %add3A_135 = arith.constant 3 : i32
    %add3A_136 = arith.addi %add3A_134, %add3A_135 : i32
    %add3A_137 = vector.broadcast %add3A_136 : i32 to vector<8x32768xi32>
    %add3A_138 = arith.addi %xor3A_130, %add3A_137 : vector<8x32768xi32>
    %add3A_139 = arith.addi %add3A_133, %add3A_138 : vector<8x32768xi32>
    %shift_left3A_140 = arith.constant 17 : i32
    %shift_left3A_141 = vector.broadcast %shift_left3A_140 : i32 to vector<8x32768xi32>
    %shift_left3A_142 = arith.shli %add3A_138, %shift_left3A_141 : vector<8x32768xi32>
    %shift_right_logical3A_143 = arith.constant 15 : i32
    %shift_right_logical3A_144 = vector.broadcast %shift_right_logical3A_143 : i32 to vector<8x32768xi32>
    %shift_right_logical3A_145 = arith.shrui %add3A_138, %shift_right_logical3A_144 : vector<8x32768xi32>
    %or3A_146 = arith.ori %shift_left3A_142, %shift_right_logical3A_145 : vector<8x32768xi32>
    %xor3A_147 = arith.xori %add3A_139, %or3A_146 : vector<8x32768xi32>
    %add3A_148 = arith.addi %add3A_139, %xor3A_147 : vector<8x32768xi32>
    %shift_left3A_149 = arith.constant 29 : i32
    %shift_left3A_150 = vector.broadcast %shift_left3A_149 : i32 to vector<8x32768xi32>
    %shift_left3A_151 = arith.shli %xor3A_147, %shift_left3A_150 : vector<8x32768xi32>
    %shift_right_logical3A_152 = arith.constant 3 : i32
    %shift_right_logical3A_153 = vector.broadcast %shift_right_logical3A_152 : i32 to vector<8x32768xi32>
    %shift_right_logical3A_154 = arith.shrui %xor3A_147, %shift_right_logical3A_153 : vector<8x32768xi32>
    %or3A_155 = arith.ori %shift_left3A_151, %shift_right_logical3A_154 : vector<8x32768xi32>
    %xor3A_156 = arith.xori %add3A_148, %or3A_155 : vector<8x32768xi32>
    %add3A_157 = arith.addi %add3A_148, %xor3A_156 : vector<8x32768xi32>
    %shift_left3A_158 = arith.constant 16 : i32
    %shift_left3A_159 = vector.broadcast %shift_left3A_158 : i32 to vector<8x32768xi32>
    %shift_left3A_160 = arith.shli %xor3A_156, %shift_left3A_159 : vector<8x32768xi32>
    %shift_right_logical3A_161 = arith.constant 16 : i32
    %shift_right_logical3A_162 = vector.broadcast %shift_right_logical3A_161 : i32 to vector<8x32768xi32>
    %shift_right_logical3A_163 = arith.shrui %xor3A_156, %shift_right_logical3A_162 : vector<8x32768xi32>
    %or3A_164 = arith.ori %shift_left3A_160, %shift_right_logical3A_163 : vector<8x32768xi32>
    %xor3A_165 = arith.xori %add3A_157, %or3A_164 : vector<8x32768xi32>
    %add3A_166 = arith.addi %add3A_157, %xor3A_165 : vector<8x32768xi32>
    %shift_left3A_167 = arith.constant 24 : i32
    %shift_left3A_168 = vector.broadcast %shift_left3A_167 : i32 to vector<8x32768xi32>
    %shift_left3A_169 = arith.shli %xor3A_165, %shift_left3A_168 : vector<8x32768xi32>
    %shift_right_logical3A_170 = arith.constant 8 : i32
    %shift_right_logical3A_171 = vector.broadcast %shift_right_logical3A_170 : i32 to vector<8x32768xi32>
    %shift_right_logical3A_172 = arith.shrui %xor3A_165, %shift_right_logical3A_171 : vector<8x32768xi32>
    %or3A_173 = arith.ori %shift_left3A_169, %shift_right_logical3A_172 : vector<8x32768xi32>
    %xor3A_174 = arith.xori %add3A_166, %or3A_173 : vector<8x32768xi32>
    %add3A_175 = arith.constant 270669613 : i32
    %add3A_176 = vector.broadcast %add3A_175 : i32 to vector<8x32768xi32>
    %add3A_177 = arith.addi %add3A_166, %add3A_176 : vector<8x32768xi32>
    %add3A_178 = arith.constant 1724713080 : i32
    %add3A_179 = arith.constant 4 : i32
    %add3A_180 = arith.addi %add3A_178, %add3A_179 : i32
    %add3A_181 = vector.broadcast %add3A_180 : i32 to vector<8x32768xi32>
    %add3A_182 = arith.addi %xor3A_174, %add3A_181 : vector<8x32768xi32>
    %add3A_183 = arith.addi %add3A_177, %add3A_182 : vector<8x32768xi32>
    %shift_left3A_184 = arith.constant 13 : i32
    %shift_left3A_185 = vector.broadcast %shift_left3A_184 : i32 to vector<8x32768xi32>
    %shift_left3A_186 = arith.shli %add3A_182, %shift_left3A_185 : vector<8x32768xi32>
    %shift_right_logical3A_187 = arith.constant 19 : i32
    %shift_right_logical3A_188 = vector.broadcast %shift_right_logical3A_187 : i32 to vector<8x32768xi32>
    %shift_right_logical3A_189 = arith.shrui %add3A_182, %shift_right_logical3A_188 : vector<8x32768xi32>
    %or3A_190 = arith.ori %shift_left3A_186, %shift_right_logical3A_189 : vector<8x32768xi32>
    %xor3A_191 = arith.xori %add3A_183, %or3A_190 : vector<8x32768xi32>
    %add3A_192 = arith.addi %add3A_183, %xor3A_191 : vector<8x32768xi32>
    %shift_left3A_193 = arith.constant 15 : i32
    %shift_left3A_194 = vector.broadcast %shift_left3A_193 : i32 to vector<8x32768xi32>
    %shift_left3A_195 = arith.shli %xor3A_191, %shift_left3A_194 : vector<8x32768xi32>
    %shift_right_logical3A_196 = arith.constant 17 : i32
    %shift_right_logical3A_197 = vector.broadcast %shift_right_logical3A_196 : i32 to vector<8x32768xi32>
    %shift_right_logical3A_198 = arith.shrui %xor3A_191, %shift_right_logical3A_197 : vector<8x32768xi32>
    %or3A_199 = arith.ori %shift_left3A_195, %shift_right_logical3A_198 : vector<8x32768xi32>
    %xor3A_200 = arith.xori %add3A_192, %or3A_199 : vector<8x32768xi32>
    %add3A_201 = arith.addi %add3A_192, %xor3A_200 : vector<8x32768xi32>
    %shift_left3A_202 = arith.constant 26 : i32
    %shift_left3A_203 = vector.broadcast %shift_left3A_202 : i32 to vector<8x32768xi32>
    %shift_left3A_204 = arith.shli %xor3A_200, %shift_left3A_203 : vector<8x32768xi32>
    %shift_right_logical3A_205 = arith.constant 6 : i32
    %shift_right_logical3A_206 = vector.broadcast %shift_right_logical3A_205 : i32 to vector<8x32768xi32>
    %shift_right_logical3A_207 = arith.shrui %xor3A_200, %shift_right_logical3A_206 : vector<8x32768xi32>
    %or3A_208 = arith.ori %shift_left3A_204, %shift_right_logical3A_207 : vector<8x32768xi32>
    %xor3A_209 = arith.xori %add3A_201, %or3A_208 : vector<8x32768xi32>
    %add3A_210 = arith.addi %add3A_201, %xor3A_209 : vector<8x32768xi32>
    %shift_left3A_211 = arith.constant 6 : i32
    %shift_left3A_212 = vector.broadcast %shift_left3A_211 : i32 to vector<8x32768xi32>
    %shift_left3A_213 = arith.shli %xor3A_209, %shift_left3A_212 : vector<8x32768xi32>
    %shift_right_logical3A_214 = arith.constant 26 : i32
    %shift_right_logical3A_215 = vector.broadcast %shift_right_logical3A_214 : i32 to vector<8x32768xi32>
    %shift_right_logical3A_216 = arith.shrui %xor3A_209, %shift_right_logical3A_215 : vector<8x32768xi32>
    %or3A_217 = arith.ori %shift_left3A_213, %shift_right_logical3A_216 : vector<8x32768xi32>
    %xor3A_218 = arith.xori %add3A_210, %or3A_217 : vector<8x32768xi32>
    %add3A_219 = arith.constant 1724713080 : i32
    %add3A_220 = vector.broadcast %add3A_219 : i32 to vector<8x32768xi32>
    %add3A_221 = arith.addi %add3A_210, %add3A_220 : vector<8x32768xi32>
    %add3A_222 = arith.constant 1832780943 : i32
    %add3A_223 = arith.constant 5 : i32
    %add3A_224 = arith.addi %add3A_222, %add3A_223 : i32
    %add3A_225 = vector.broadcast %add3A_224 : i32 to vector<8x32768xi32>
    %add3A_226 = arith.addi %xor3A_218, %add3A_225 : vector<8x32768xi32>
    %xor3A_227 = arith.xori %add3A_221, %add3A_226 : vector<8x32768xi32>
    %shift_right_logical3A_228 = arith.constant 9 : i32
    %shift_right_logical3A_229 = vector.broadcast %shift_right_logical3A_228 : i32 to vector<8x32768xi32>
    %shift_right_logical3A_230 = arith.shrui %xor3A_227, %shift_right_logical3A_229 : vector<8x32768xi32>
    %lt3A = arith.constant 838861 : i32
    %lt3A_231 = vector.broadcast %lt3A : i32 to vector<8x32768xi32>
    %lt3A_232 = arith.cmpi slt, %shift_right_logical3A_230, %lt3A_231 : vector<8x32768xi32>
    %get3A = arith.constant 0 : index
    %get3A_233 = arith.constant 0 : index
    %get3A_234 = vector.load %arg1[%get3A, %get3A_233] : memref<8x32768xi32, #tpu.memory_space<vmem>>, vector<8x32768xi32>
    %get3A_235 = arith.constant dense<0> : vector<8x32768xi32>
    %get3A_236 = arith.cmpi ne, %get3A_234, %get3A_235 : vector<8x32768xi32>
    %and3A = arith.andi %lt3A_232, %get3A_236 : vector<8x32768xi1>
    %convert_element_type3A = arith.extui %and3A : vector<8x32768xi1> to vector<8x32768xi32>
    %swap3A = arith.constant 0 : index
    %swap3A_237 = arith.constant 0 : index
    %swap3A_238 = vector.load %arg2[%swap3A, %swap3A_237] : memref<8x32768xi32, #tpu.memory_space<vmem>>, vector<8x32768xi32>
    tpu.vector_store %arg2[%swap3A, %swap3A_237], %convert_element_type3A {strides = array<i32>} : memref<8x32768xi32, #tpu.memory_space<vmem>>, vector<8x32768xi32>,
    return
  }
  func.func @transform_0(%arg0: i32) -> (i32, i32) {
    %c0_i32 = arith.constant 0 : i32
    %c0_i32_0 = arith.constant 0 : i32
    return %arg0, %c0_i32 : i32, i32
  }
  func.func @transform_1(%arg0: i32) -> (i32, i32) {
    %c0_i32 = arith.constant 0 : i32
    %c0_i32_0 = arith.constant 0 : i32
    return %arg0, %c0_i32 : i32, i32
  }
}

</mosaic_0001>

<sc_bundles>
// kernel: kernel.4.cloned.1.call-start
scs
__scs_entry_jumppad:
0x0: {  	(pc) =	sbr.rel $0x88, $3  }
0x1: {  	(tag) =	ssettag $0x0;
	lr =	simm.s32 $0x1  }
0x2: {  	[smem:$0x3F9C] =	sst lr;
	_ =	strace $0xD0000000  }
0x3: {  	_ = 	snop  }
0x4: {  	_ = 	snop  }
0x5: {  	_ = 	snop  }
0x6: {  	_ = 	snop  }
0x7: {  	_ = 	snop  }
__scs_overlays_trampoline_lowered:
0x8: {  	[smem:$0x3FAB] =	sst s0  }
0x9: {  	[smem:$0x3FAC] =	sst s1  }
0xa: {  	[smem:$0x3FAD] =	sst s2  }
0xb: {  	[smem:$0x3FAE] =	sst s3  }
0xc: {  	[smem:$0x3FAF] =	sst s4  }
0xd: {  	[smem:$0x3FB0] =	sst s5  }
0xe: {  	[smem:$0x3FB1] =	sst s6  }
0xf: {  	[smem:$0x3FB2] =	sst s7  }
0x10: {  	[smem:$0x3FB3] =	sst s8  }
0x11: {  	[smem:$0x3FB4] =	sst s9;
	s0 =	simm.s32 @!p0 $0x0  }
0x12: {  	s1 =	sld [smem:$0x3F9A];
	s0 =	simm.s32 @p0 $0x1  }
0x13: {  	[smem:$0x3FB5] =	sst s0;
	s0 =	simm.s32 @!p1 $0x0  }
0x14: {  	s2 =	sld [smem:$0x3F99];
	s0 =	simm.s32 @p1 $0x1  }
0x15: {  	[smem:$0x3FB6] =	sst s0;
	s0 =	simm.s32 @!p2 $0x0  }
0x16: {  	s3 =	sld [smem:$0x3FDB];
	s0 =	simm.s32 @p2 $0x1  }
0x17: {  	s4 =	simm.s32 $0x1BF5;
	[smem:$0x3FB8] =	sst s0  }
0x18: {  	s0 =	sld [smem:$0x3F9B];
	_ =	swait.ge [sflag:s4], $0x0  }
0x19: {  	s7 =	sld [smem:$0x3F9C]  }
0x1a: {  	s8 =	sadd.s32 $0xFFFFE003, lr  }
0x1b: {  	s9 =	sadd.s32 $0xFFFFFEF7, lr;
	s5 =	simm.s32 $0xFFFFFFFF;
	p2 =	slt.u32 s8, $0xFFFFF086  }
0x1c: {  	p1 =	slt.u32 s9, $0xF7A;
	s5 =	simm.s32 @!p2 $0x0  }
0x1d: {  	s5 =	simm.s32 @p1 $0x1;
	p0 =	seq.s32 s7, s2  }
0x1e: {  	s7 =	smul.u32 @!p0 $0xF7A, s2;
	p2 =	seq.s32 @!p0 s5, $0x0  }
0x1f: {  	s9 =	smul.u32 $0xF7A, s1;
	s8 =	simm.s32 @!p0 $0x1BF5;
	p2 =	por !p2, p0  }
0x20: {  	[sflag:s8] =	ssyncset.s32 @!p0 $0xFFFFF086;
	s6 =	sadd.s32 @!p0 s3, s7;
	s7 =	simm.s32 @!p0 $0x108  }
0x21: {  	s3 =	sadd.s32 s3, s9;
	s6 =	sadd.s32 @!p0 $0x88, s6;
	s7 =	simm.s32 @p2 $0x1082  }
0x22: {  	[simem:s7], [sflag:s8] =	dma.local @!p0 [hbm:s6], $0xF7A  }
0x23: {  	s9 =	sor.u32 $0xD0000000, s2;
	s6 =	simm.s32 $0x108;
	_ =	swait.ge @!p0 [sflag:s8], $0x0  }
0x24: {  	s3 =	sadd.s32 $0x88, s3;
	s6 =	simm.s32 @!p1 $0x1082;
	[sflag:s4] =	ssyncset.s32 $0xFFFFF086  }
0x25: {  	[simem:s6], [sflag:s4] =	dma.local [hbm:s3], $0xF7A  }
0x26: {  	[smem:$0x3F9C] =	sst s1;
	(tag) =	ssettag s2;
	_ =	strace s9  }
0x27: {  	s1 =	sld [smem:$0x3FAC]  }
0x28: {  	s2 =	sld [smem:$0x3FAD]  }
0x29: {  	s4 =	sld [smem:$0x3FAF]  }
0x2a: {  	p0 =	seq.s32 s5, $0x0;
	s5 =	sld [smem:$0x3FB0]  }
0x2b: {  	s6 =	sld [smem:$0x3FB1]  }
0x2c: {  	s7 =	sld [smem:$0x3FB2]  }
0x2d: {  	s3 =	simm.s32 $0x108;
	s8 =	sld [smem:$0x3FB3]  }
0x2e: {  	s3 =	simm.s32 @!p0 $0x1082;
	s9 =	sld [smem:$0x3FB4]  }
0x2f: {  	lr =	sadd.s32 s0, s3;
	s0 =	sld [smem:$0x3FAB]  }
0x30: {  	s3 =	sld [smem:$0x3FAE]  }
0x31: {  	[smem:$0x3FB7] =	sst s10  }
0x32: {  	s10 =	sld [smem:$0x3FB5];
	_ =	sdelay $0x3  }
0x33: {  	p0 =	seq.s32 s10, $0x1;
	s10 =	sld [smem:$0x3FB7];
	_ =	sdelay $0x3  }
0x34: {  	[smem:$0x3FB7] =	sst s10  }
0x35: {  	s10 =	sld [smem:$0x3FB6];
	_ =	sdelay $0x3  }
0x36: {  	p1 =	seq.s32 s10, $0x1;
	s10 =	sld [smem:$0x3FB7];
	_ =	sdelay $0x3  }
0x37: {  	[smem:$0x3FB7] =	sst s10  }
0x38: {  	s10 =	sld [smem:$0x3FB8]  }
0x39: {  	_ = 	snop;
	(pc) =	sbr.ind lr, $3  }
0x3a: {  	_ = 	snop  }
0x3b: {  	_ = 	snop  }
0x3c: {  	p2 =	seq.s32 s10, $0x1;
	s10 =	sld [smem:$0x3FB7]  }
0x3d: {  	_ =	shalt  }
0x3e: {  	_ =	shalt  }
0x3f: {  	_ =	shalt  }
0x40: {  	_ =	shalt  }
0x41: {  	_ =	shalt  }
0x42: {  	_ =	shalt  }
0x43: {  	_ =	shalt  }
0x44: {  	_ =	shalt  }
0x45: {  	_ =	shalt  }
0x46: {  	_ =	shalt  }
0x47: {  	_ =	shalt  }
0x48: {  	_ =	shalt  }
0x49: {  	_ =	shalt  }
0x4a: {  	_ =	shalt  }
0x4b: {  	_ =	shalt  }
0x4c: {  	_ =	shalt  }
0x4d: {  	_ =	shalt  }
0x4e: {  	_ =	shalt  }
0x4f: {  	_ =	shalt  }
0x50: {  	_ =	shalt  }
0x51: {  	_ =	shalt  }
0x52: {  	_ =	shalt  }
0x53: {  	_ =	shalt  }
0x54: {  	_ =	shalt  }
0x55: {  	_ =	shalt  }
0x56: {  	_ =	shalt  }
0x57: {  	_ =	shalt  }
0x58: {  	_ =	shalt  }
0x59: {  	_ =	shalt  }
0x5a: {  	_ =	shalt  }
0x5b: {  	_ =	shalt  }
0x5c: {  	_ =	shalt  }
0x5d: {  	_ =	shalt  }
0x5e: {  	_ =	shalt  }
0x5f: {  	_ =	shalt  }
0x60: {  	_ =	shalt  }
0x61: {  	_ =	shalt  }
0x62: {  	_ =	shalt  }
0x63: {  	_ =	shalt  }
0x64: {  	_ =	shalt  }
0x65: {  	_ =	shalt  }
0x66: {  	_ =	shalt  }
0x67: {  	_ =	shalt  }
0x68: {  	_ =	shalt  }
0x69: {  	_ =	shalt  }
0x6a: {  	_ =	shalt  }
0x6b: {  	_ =	shalt  }
0x6c: {  	_ =	shalt  }
0x6d: {  	_ =	shalt  }
0x6e: {  	_ =	shalt  }
0x6f: {  	_ =	shalt  }
0x70: {  	_ =	shalt  }
0x71: {  	_ =	shalt  }
0x72: {  	_ =	shalt  }
0x73: {  	_ =	shalt  }
0x74: {  	_ =	shalt  }
0x75: {  	_ =	shalt  }
0x76: {  	_ =	shalt  }
0x77: {  	_ =	shalt  }
0x78: {  	_ =	shalt  }
0x79: {  	_ =	shalt  }
0x7a: {  	_ =	shalt  }
0x7b: {  	_ =	shalt  }
0x7c: {  	_ =	shalt  }
0x7d: {  	_ =	shalt  }
0x7e: {  	_ =	shalt  }
0x7f: {  	_ =	shalt  }
0x80: {  	_ =	shalt  }
0x81: {  	_ =	shalt  }
0x82: {  	_ =	shalt  }
0x83: {  	_ =	shalt  }
0x84: {  	_ =	shalt  }
0x85: {  	_ =	shalt  }
0x86: {  	_ =	shalt  }
0x87: {  	_ =	shalt  }
.Lfunc_end0:
.L_simem_size_0:
called_computation_lowered:
.L_overlay_start_0:
0x88: {  	s1 =	sld [smem:$0x3FD9]  }
0x89: {  	s2 =	sld [smem:$0x3FFE];
	_ =	sdelay $0x1  }
0x8a: {  	s3 =	srdreg.scid  }
0x8b: {  	s0 =	sand.u32 $0x1, s3  }
0x8c: {  	s17 =	sshll.u32 s0, $0xA;
	s1 =	sadd.s32 s2, s1  }
0x8d: {  	s1 =	sadd.s32 s1, s17  }
0x8e: {  	[smem:$0x3FC3] =	sst s1  }
0x8f: {  	_ = 	snop  }
0x90: {  	(tm) =	ssettm $0x1  }
0x91: {  	s18 =	sld [smem:$0x3FFB];
	_ =	sdelay $0x3  }
0x92: {  	_ =	strace s18  }
0x93: {  	s1 =	sld [smem:$0x3FFC];
	_ =	sdelay $0x3  }
0x94: {  	_ =	strace s1  }
0x95: {  	s1 =	sld [smem:$0x3FFD];
	_ =	sdelay $0x3  }
0x96: {  	_ =	strace s1  }
0x97: {  	_ =	strace $0x8FFFFFFF  }
0x98: {  	s19 =	sld [smem:$0x3FDB];
	_ =	sdelay $0x1  }
0x99: {  	s20 =	simm.s32 $_scs_section_size  }
0x9a: {  	s4 =	simm.s32 $_size__tile_overlayer_lowered;
	s5 =	simm.s32 $_tile_overlayer_lowered  }
0x9b: {  	s23 =	simm.s32 $0x1BFF;
	s22 =	sshll.u32 s5, $0x1;
	s1 =	sadd.s32 s20, s19  }
0x9c: {  	s6 =	simm.s32 $0x0;
	s21 =	sshll.u32 s4, $0x1;
	s4 =	sadd.s32 s22, s1  }
0x9d: {  	[timem:s6], [sflag:s23] =	dma.local [hbm:s4], s21  }
0x9e: {  	_ =	swait.ge [sflag:s23], s21  }
0x9f: {  	s2 =	ssub.s32 $0x0, s21;
	[sflag:s23] =	ssyncset.done $0x0  }
0xa0: {  	[sflag:s23] =	ssyncadd.s32 s2;
	_ =	sdelay $0x1  }
0xa1: {  	s24 =	simm.s32 $0x1B8B  }
0xa2: {  	_ =	swait.ge [sflag:s24], $0x1  }
0xa3: {  	[sflag:s24] =	ssyncset.done $0x0  }
0xa4: {  	s25 =	simm.s32 $0x1B8E;
	[sflag:s24] =	ssyncadd.s32 $0xFFFFFFFF  }
0xa5: {  	s26 =	simm.s32 $execute0_lowered;
	[smem:$0x3FD2] =	sst s25  }
0xa6: {  	s2 =	sshll.u32 s26, $0x1;
	_ =	strace $0x80000046;
	[dreg:$0x1] =	wrdreg $0xFFFFFFFF  }
0xa7: {  	s28 =	simm.s32 $_size_execute0_lowered;
	s1 =	sadd.s32 s1, s2;
	[dreg:$0x0] =	wrdreg $0x0  }
0xa8: {  	s2 =	sshll.u32 s28, $0x1;
	[dreg:$0x2] =	wrdreg s1  }
0xa9: {  	[dreg:$0x3] =	wrdreg s2  }
0xaa: {  	[dreg:$0x4] =	wrdreg $0xC0  }
0xab: {  	_ =	task [dreg:s6], $0x5FFFF  }
0xac: {  	[dreg:$0x1] =	wrdreg $0xFFFFFFFF  }
0xad: {  	[dreg:$0x0] =	wrdreg $0x60  }
0xae: {  	[dreg:$0x2] =	wrdreg $0x9  }
0xaf: {  	_ =	task.clear_ibuf [dreg:s6], $0x3FFFF;
	_ =	strace $0x90000046  }
0xb0: {  	s29 =	simm.s32 $0x9;
	_ =	strace $0x80000048  }
0xb1: {  	_ =	swait.ge [sflag:s29], $0x1  }
0xb2: {  	[sflag:s29] =	ssyncadd.s32 $0xFFFFFFFF  }
0xb3: {  	_ =	strace $0x90000048  }
0xb4: {  	_ =	sfence  }
0xb5: {  	s30 =	sld [smem:$0x0];
	_ =	sdelay $0x2  }
0xb6: {  	s31 =	sshll.u32 s3, $0xD;
	s3 =	sshrl.u32 s3, $0x2  }
0xb7: {  	s2 =	sand.u32 $0x4000, s31;
	s1 =	sadd.s32 s3, s30  }
0xb8: {  	s0 =	sor.u32 s2, s0;
	s1 =	sshll.u32 s1, $0x11  }
0xb9: {  	s0 =	sor.u32 s1, s0  }
0xba: {  	s0 =	sadd.s32 $0x8F2B, s0  }
0xbb: {  	[sflag:s0] =	ssyncadd.remote.s32 $0x1  }
0xbc: {  	_ =	sfence.sel $0xFFFF  }
0xbd: {  	[dreg:$0x0] =	wrdreg $0xFFFFFFFF;
	(pc) =	sbr.abs _section_cstart, $3  }
0xbe: {  	[dreg:$0x1] =	wrdreg $0xFFFFFFFF  }
0xbf: {  	_ =	task.clear_ibuf [dreg:s6], $0x2FFFF;
	_ =	strace $0x9FFFFFFF  }
0xc0: {  	(tm) =	ssettm $0x7FFFFFFF  }
0xc1: {  	_ =	shalt  }
tec
execute0_lowered:
.L_overlay_start_1:
0x0: {  	(tag) =	ssettag $0x1  }
0x1: {  	s0 =	rddreg [dreg:$0x0];
	_ =	strace $0x80000047  }
0x2: {  	_ =	sfence.sel $0x180000  }
0x3: {  	s1 =	stileid.u32;
	[bflag:$0x0] =	sbarrier.arrive $0xFFFF  }
0x4: {  	p0 =	sne.s32 s1, $0x0;
	_ =	strace $0x90000047  }
0x5: {  	s0 =	sadd.s32 @!p0 $0x100000, s0;
	[bflag:$0x2] =	sbarrier.arrive $0xFFFF  }
0x6: {  	[sflag:s0] =	ssyncadd.tile.s32 @!p0 $0x1;
	_ =	shalt  }
.Lfunc_end2:
_tile_overlayer_lowered:
.L_overlay_start_2:
0x7: {  	(tag) =	ssettag $0x2  }
0x8: {  	s0 =	rddreg [dreg:$0x0];
	s2 =	stileid.u32  }
0x9: {  	s1 =	rddreg [dreg:$0x1];
	p0 =	sne.s32 s2, $0x0  }
0xa: {  	s3 =	rddreg [dreg:$0x2];
	[bflag:$0x3] =	sbarrier.arrive $0xFFFF;
	s2 =	simm.s32 @!p0 $0x1C01  }
0xb: {  	[timem:s3], [sflag:s2] =	dma.local @!p0 [hbm:s0], s1  }
0xc: {  	s0 =	simm.s32 @!p0 $0x1  }
0xd: {  	_ =	swait.ge @!p0 [sflag:s0], s1  }
0xe: {  	s1 =	ssub.s32 @!p0 $0x0, s1;
	[sflag:s0] =	ssyncset.done @!p0 $0x0  }
0xf: {  	[sflag:s0] =	ssyncadd.s32 @!p0 s1  }
0x10: {  	[bflag:$0x3] =	sbarrier.arrive $0xFFFF  }
0x11: {  	_ =	shalt  }

</sc_bundles>
